<compile_context>
chip_gen: v7x
topology: tpu7x:2x2x1
jax: 0.10.2.dev20260603
libtpu: 0.0.44.dev20260713+nightly
codegen_flags: <defaults>
</compile_context>

<pallas_src>
import jax
import jax.numpy as jnp
from jax import lax
from jax.experimental import pallas as pl
from jax.experimental.pallas import tpu as pltpu
from jax.experimental.pallas import tpu_sc as plsc

B = 16384
EMBED = 32
NEG = 8
NC = 2
NS = 16
NW = NC * NS
N = 1000000
BPW = B // NW
C = 64
NCHUNK2 = BPW // C
H = 16


def _mf_body(u_pack, i_pack, ua_hbm, ia_hbm, na_hbm,
             pos_hbm, neg_hbm,
             ua, ia, na, uv, iv, nv, pos_buf, neg_buf, sem):
    wid = lax.axis_index("s") * NC + lax.axis_index("c")
    base = wid * BPW
    lanes = lax.broadcasted_iota(jnp.int32, (H,), 0)
    last = lanes == (H - 1)

    def chunk_body(c, _):
        cbase = base + c * C
        pltpu.sync_copy(ua_hbm.at[pl.ds(cbase * EMBED, C * EMBED)], ua)
        pltpu.sync_copy(ia_hbm.at[pl.ds(cbase * EMBED, C * EMBED)], ia)
        pltpu.sync_copy(
            na_hbm.at[pl.ds(cbase * NEG * EMBED, C * NEG * EMBED)], na)
        copies = [
            pltpu.async_copy(u_pack.at[ua], uv, sem),
            pltpu.async_copy(i_pack.at[ia], iv, sem),
            pltpu.async_copy(i_pack.at[na], nv, sem),
        ]
        for cp in copies:
            cp.wait()

        def elem_body(e, _):
            u0 = uv[pl.ds(e * EMBED, H)]
            u1 = uv[pl.ds(e * EMBED + H, H)]
            i0 = iv[pl.ds(e * EMBED, H)]
            i1 = iv[pl.ds(e * EMBED + H, H)]
            ps = plsc.cumsum(u0 * i0 + u1 * i1)
            plsc.store_scatter(
                pos_buf, [jnp.full((H,), c * C + e, jnp.int32)], ps,
                mask=last)
            for j in range(NEG):
                r = (e * NEG + j) * EMBED
                n0 = nv[pl.ds(r, H)]
                n1 = nv[pl.ds(r + H, H)]
                ns = plsc.cumsum(u0 * n0 + u1 * n1)
                plsc.store_scatter(
                    neg_buf,
                    [jnp.full((H,), (c * C + e) * NEG + j, jnp.int32)], ns,
                    mask=last)
            return 0

        lax.fori_loop(0, C, elem_body, 0)
        return 0

    lax.fori_loop(0, NCHUNK2, chunk_body, 0)
    pltpu.sync_copy(pos_buf, pos_hbm.at[pl.ds(base, BPW)])
    pltpu.sync_copy(neg_buf, neg_hbm.at[pl.ds(base * NEG, BPW * NEG)])


_mf = pl.kernel(
    _mf_body,
    out_type=(
        jax.ShapeDtypeStruct((B,), jnp.float32),
        jax.ShapeDtypeStruct((B * NEG,), jnp.float32),
    ),
    mesh=plsc.VectorSubcoreMesh(
        core_axis_name="c", subcore_axis_name="s",
        num_cores=NC, num_subcores=NS),
    scratch_types=[
        pltpu.VMEM((C * EMBED,), jnp.int32),
        pltpu.VMEM((C * EMBED,), jnp.int32),
        pltpu.VMEM((C * NEG * EMBED,), jnp.int32),
        pltpu.VMEM((C * EMBED,), jnp.float32),
        pltpu.VMEM((C * EMBED,), jnp.float32),
        pltpu.VMEM((C * NEG * EMBED,), jnp.float32),
        pltpu.VMEM((BPW,), jnp.float32),
        pltpu.VMEM((BPW * NEG,), jnp.float32),
        pltpu.SemaphoreType.DMA,
    ],
    compiler_params=pltpu.CompilerParams(
        needs_layout_passes=False, use_tc_tiling_on_sc=False),
)


def _addrs(idx):
    d = jnp.arange(EMBED, dtype=jnp.int32)[None, :]
    return (d * N + idx[:, None]).reshape(-1)


def kernel(user_embeds, item_embeds, users, items, items_neg):
    users = users.astype(jnp.int32)
    items = items.astype(jnp.int32)
    neg_flat = items_neg.astype(jnp.int32).reshape(B * NEG)
    ua = _addrs(users)
    ia = _addrs(items)
    na = _addrs(neg_flat)
    u_pack = user_embeds.T.reshape(N * EMBED)
    i_pack = item_embeds.T.reshape(N * EMBED)
    pos, neg = _mf(u_pack, i_pack, ua, ia, na)
    return pos, neg.reshape(B, NEG)

# --- scband reference (transcript-rebuilt; emitter-appended) ---
"""Pipeline reference for scband-mf-41137196761284 (READ-ONLY COPY).

The authoritative reference and input builder live on the scoring server;
editing this copy changes nothing except your own understanding.
"""

import jax, jax.numpy as jnp
import numpy as np

NUM_USERS = 1000000
NUM_ITEMS = 1000000
EMBED = 32
B = 16384
NEG = 8


def setup_inputs(seed: int = 0) -> dict:
    key = jax.random.key(seed)
    k1, k2, k3, k4, k5 = jax.random.split(key, 5)
    user_embeds = jax.random.normal(k1, (NUM_USERS, EMBED), dtype=jnp.float32)
    item_embeds = jax.random.normal(k2, (NUM_ITEMS, EMBED), dtype=jnp.float32)
    users = jax.random.randint(k3, (B,), 0, NUM_USERS, dtype=jnp.int64) if jax.config.jax_enable_x64 else jax.random.randint(k3, (B,), 0, NUM_USERS)
    items = jax.random.randint(k4, (B,), 0, NUM_ITEMS)
    items_neg = jax.random.randint(k5, (B, NEG), 0, NUM_ITEMS)
    return {
        "user_embeds": user_embeds,
        "item_embeds": item_embeds,
        "users": users,
        "items": items,
        "items_neg": items_neg,
    }


def reference(user_embeds, item_embeds, users, items, items_neg):
    # MF.forward with items_neg provided; dropout p=0.0 -> identity.
    # final_user_embeds = user_embeds; final_item_embeds = item_embeds
    u = jnp.take(user_embeds, users, axis=0)            # [B, d]
    it = jnp.take(item_embeds, items, axis=0)           # [B, d]
    ineg = jnp.take(item_embeds, items_neg, axis=0)     # [B, NEG, d]
    pos = jnp.sum(u * it, axis=-1)                      # [B]
    neg = jnp.sum(u[:, None, :] * ineg, axis=-1)        # [B, NEG]
    return (pos, neg)

if __name__ == "__main__":
    import jax
    _d = setup_inputs()
    print(jax.jit(kernel)(*tuple(_d.values())))

</pallas_src>

<mosaic_0001>
#map = affine_map<(d0, d1) -> (0)>
module attributes {stable_mosaic.version = 14 : i64} {
  func.func @_mf_body(%arg0: i32, %arg1: i32, %arg2: memref<32000000xf32, #tpu.memory_space<hbm>>, %arg3: memref<32000000xf32, #tpu.memory_space<hbm>>, %arg4: memref<524288xi32, #tpu.memory_space<hbm>>, %arg5: memref<524288xi32, #tpu.memory_space<hbm>>, %arg6: memref<4194304xi32, #tpu.memory_space<hbm>>, %arg7: memref<16384xf32, #tpu.memory_space<hbm>>, %arg8: memref<131072xf32, #tpu.memory_space<hbm>>, %arg9: memref<2048xi32, #tpu.memory_space<vmem>>, %arg10: memref<2048xi32, #tpu.memory_space<vmem>>, %arg11: memref<16384xi32, #tpu.memory_space<vmem>>, %arg12: memref<2048xf32, #tpu.memory_space<vmem>>, %arg13: memref<2048xf32, #tpu.memory_space<vmem>>, %arg14: memref<16384xf32, #tpu.memory_space<vmem>>, %arg15: memref<512xf32, #tpu.memory_space<vmem>>, %arg16: memref<4096xf32, #tpu.memory_space<vmem>>, %arg17: memref<!tpu.dma_semaphore, #tpu.memory_space<semaphore_mem>>) attributes {dimension_semantics = [#tpu.dimension_semantics<core_parallel>, #tpu.dimension_semantics<subcore_parallel>], iteration_bounds = array<i64: 2, 16>, scalar_prefetch = 0 : i64, scratch_operands = 9 : i64, tpu.core_type = #tpu.core_type<sc_vector_subcore>, window_params = [{transform_indices = #map}, {transform_indices = #map}, {transform_indices = #map}, {transform_indices = #map}, {transform_indices = #map}, {transform_indices = #map}, {transform_indices = #map}]} {
    %mul3A = arith.constant 2 : i32
    %mul3A_0 = arith.muli %arg1, %mul3A : i32
    %add3A = arith.addi %mul3A_0, %arg0 : i32
    %mul3A_1 = arith.constant 512 : i32
    %mul3A_2 = arith.muli %add3A, %mul3A_1 : i32
    %iota3A = tpu.iota {dimensions = array<i32: 0>} : vector<16xi32>
    %eq3A = arith.constant 15 : i32
    %eq3A_3 = vector.broadcast %eq3A : i32 to vector<16xi32>
    %eq3A_4 = arith.cmpi eq, %iota3A, %eq3A_3 : vector<16xi32>
    %scan3A = arith.constant 0 : i32
    %scan3A_5 = arith.constant 0 : i32
    %scan3A_6 = arith.constant 8 : i32
    %scan3A_7 = arith.addi %scan3A_5, %scan3A_6 : i32
    %scan3A_8 = arith.constant 1 : i32
    %scan3A_9 = scf.for %scan3A_13 = %scan3A_5 to %scan3A_7 step %scan3A_8 iter_args(%scan3A_14 = %scan3A) -> (i32)  : i32 {
      %mul3A_15 = arith.constant 64 : i32
      %mul3A_16 = arith.muli %scan3A_13, %mul3A_15 : i32
      %add3A_17 = arith.addi %mul3A_2, %mul3A_16 : i32
      %mul3A_18 = arith.constant 32 : i32
      %mul3A_19 = arith.muli %add3A_17, %mul3A_18 : i32
      "tpu.region"() ({
        %run_scoped3A = tpu.sem_alloc : memref<!tpu.dma_semaphore, #tpu.memory_space<semaphore_mem>>
        %dma_start3A_44 = tpu.memref_slice %arg4[%mul3A_19] : memref<524288xi32, #tpu.memory_space<hbm>> -> memref<2048xi32, #tpu.memory_space<hbm>>
        %dma_start3A_45 = tpu.memref_slice %arg4[%mul3A_19] : memref<524288xi32, #tpu.memory_space<hbm>> -> memref<2048xi32, #tpu.memory_space<hbm>>
        tpu.enqueue_dma source(%dma_start3A_45 : memref<2048xi32, #tpu.memory_space<hbm>>) target(%arg9 : memref<2048xi32, #tpu.memory_space<vmem>>) target_semaphore(%run_scoped3A : memref<!tpu.dma_semaphore, #tpu.memory_space<semaphore_mem>>)
        %dma_wait3A_46 = tpu.memref_slice %arg4[%mul3A_19] : memref<524288xi32, #tpu.memory_space<hbm>> -> memref<2048xi32, #tpu.memory_space<hbm>>
        %dma_wait3A_47 = tpu.memref_slice %arg4[%mul3A_19] : memref<524288xi32, #tpu.memory_space<hbm>> -> memref<2048xi32, #tpu.memory_space<hbm>>
        tpu.wait_dma2 semaphore(%run_scoped3A : memref<!tpu.dma_semaphore, #tpu.memory_space<semaphore_mem>>) src(%dma_wait3A_47 : memref<2048xi32, #tpu.memory_space<hbm>>) dst(%arg9 : memref<2048xi32, #tpu.memory_space<vmem>>)
        tpu.yield
      }) : () -> ()
      %mul3A_20 = arith.constant 32 : i32
      %mul3A_21 = arith.muli %add3A_17, %mul3A_20 : i32
      "tpu.region"() ({
        %run_scoped3A = tpu.sem_alloc : memref<!tpu.dma_semaphore, #tpu.memory_space<semaphore_mem>>
        %dma_start3A_44 = tpu.memref_slice %arg5[%mul3A_21] : memref<524288xi32, #tpu.memory_space<hbm>> -> memref<2048xi32, #tpu.memory_space<hbm>>
        %dma_start3A_45 = tpu.memref_slice %arg5[%mul3A_21] : memref<524288xi32, #tpu.memory_space<hbm>> -> memref<2048xi32, #tpu.memory_space<hbm>>
        tpu.enqueue_dma source(%dma_start3A_45 : memref<2048xi32, #tpu.memory_space<hbm>>) target(%arg10 : memref<2048xi32, #tpu.memory_space<vmem>>) target_semaphore(%run_scoped3A : memref<!tpu.dma_semaphore, #tpu.memory_space<semaphore_mem>>)
        %dma_wait3A_46 = tpu.memref_slice %arg5[%mul3A_21] : memref<524288xi32, #tpu.memory_space<hbm>> -> memref<2048xi32, #tpu.memory_space<hbm>>
        %dma_wait3A_47 = tpu.memref_slice %arg5[%mul3A_21] : memref<524288xi32, #tpu.memory_space<hbm>> -> memref<2048xi32, #tpu.memory_space<hbm>>
        tpu.wait_dma2 semaphore(%run_scoped3A : memref<!tpu.dma_semaphore, #tpu.memory_space<semaphore_mem>>) src(%dma_wait3A_47 : memref<2048xi32, #tpu.memory_space<hbm>>) dst(%arg10 : memref<2048xi32, #tpu.memory_space<vmem>>)
        tpu.yield
      }) : () -> ()
      %mul3A_22 = arith.constant 8 : i32
      %mul3A_23 = arith.muli %add3A_17, %mul3A_22 : i32
      %mul3A_24 = arith.constant 32 : i32
      %mul3A_25 = arith.muli %mul3A_23, %mul3A_24 : i32
      "tpu.region"() ({
        %run_scoped3A = tpu.sem_alloc : memref<!tpu.dma_semaphore, #tpu.memory_space<semaphore_mem>>
        %dma_start3A_44 = tpu.memref_slice %arg6[%mul3A_25] : memref<4194304xi32, #tpu.memory_space<hbm>> -> memref<16384xi32, #tpu.memory_space<hbm>>
        %dma_start3A_45 = tpu.memref_slice %arg6[%mul3A_25] : memref<4194304xi32, #tpu.memory_space<hbm>> -> memref<16384xi32, #tpu.memory_space<hbm>>
        tpu.enqueue_dma source(%dma_start3A_45 : memref<16384xi32, #tpu.memory_space<hbm>>) target(%arg11 : memref<16384xi32, #tpu.memory_space<vmem>>) target_semaphore(%run_scoped3A : memref<!tpu.dma_semaphore, #tpu.memory_space<semaphore_mem>>)
        %dma_wait3A_46 = tpu.memref_slice %arg6[%mul3A_25] : memref<4194304xi32, #tpu.memory_space<hbm>> -> memref<16384xi32, #tpu.memory_space<hbm>>
        %dma_wait3A_47 = tpu.memref_slice %arg6[%mul3A_25] : memref<4194304xi32, #tpu.memory_space<hbm>> -> memref<16384xi32, #tpu.memory_space<hbm>>
        tpu.wait_dma2 semaphore(%run_scoped3A : memref<!tpu.dma_semaphore, #tpu.memory_space<semaphore_mem>>) src(%dma_wait3A_47 : memref<16384xi32, #tpu.memory_space<hbm>>) dst(%arg11 : memref<16384xi32, #tpu.memory_space<vmem>>)
        tpu.yield
      }) : () -> ()
      %dma_start3A = arith.constant 0 : i32
      %dma_start3A_26 = tpu.memref_slice %arg2[%dma_start3A] : memref<32000000xf32, #tpu.memory_space<hbm>> -> memref<32000000xf32, #tpu.memory_space<hbm>>
      tpu.enqueue_indirect_dma source(%dma_start3A_26 : memref<32000000xf32, #tpu.memory_space<hbm>>) target(%arg12 : memref<2048xf32, #tpu.memory_space<vmem>>) offsets(%arg9 : memref<2048xi32, #tpu.memory_space<vmem>>) semaphore(%arg17 : memref<!tpu.dma_semaphore, #tpu.memory_space<semaphore_mem>>)
      %dma_start3A_27 = arith.constant 0 : i32
      %dma_start3A_28 = tpu.memref_slice %arg3[%dma_start3A_27] : memref<32000000xf32, #tpu.memory_space<hbm>> -> memref<32000000xf32, #tpu.memory_space<hbm>>
      tpu.enqueue_indirect_dma source(%dma_start3A_28 : memref<32000000xf32, #tpu.memory_space<hbm>>) target(%arg13 : memref<2048xf32, #tpu.memory_space<vmem>>) offsets(%arg10 : memref<2048xi32, #tpu.memory_space<vmem>>) semaphore(%arg17 : memref<!tpu.dma_semaphore, #tpu.memory_space<semaphore_mem>>)
      %dma_start3A_29 = arith.constant 0 : i32
      %dma_start3A_30 = tpu.memref_slice %arg3[%dma_start3A_29] : memref<32000000xf32, #tpu.memory_space<hbm>> -> memref<32000000xf32, #tpu.memory_space<hbm>>
      tpu.enqueue_indirect_dma source(%dma_start3A_30 : memref<32000000xf32, #tpu.memory_space<hbm>>) target(%arg14 : memref<16384xf32, #tpu.memory_space<vmem>>) offsets(%arg11 : memref<16384xi32, #tpu.memory_space<vmem>>) semaphore(%arg17 : memref<!tpu.dma_semaphore, #tpu.memory_space<semaphore_mem>>)
      %dma_wait3A = arith.constant 0 : i32
      %dma_wait3A_31 = tpu.memref_slice %arg2[%dma_wait3A] : memref<32000000xf32, #tpu.memory_space<hbm>> -> memref<32000000xf32, #tpu.memory_space<hbm>>
      tpu.wait_indirect_dma semaphore(%arg17 : memref<!tpu.dma_semaphore, #tpu.memory_space<semaphore_mem>>) src(%dma_wait3A_31 : memref<32000000xf32, #tpu.memory_space<hbm>>) dst(%arg12 : memref<2048xf32, #tpu.memory_space<vmem>>)
      %dma_wait3A_32 = arith.constant 0 : i32
      %dma_wait3A_33 = tpu.memref_slice %arg3[%dma_wait3A_32] : memref<32000000xf32, #tpu.memory_space<hbm>> -> memref<32000000xf32, #tpu.memory_space<hbm>>
      tpu.wait_indirect_dma semaphore(%arg17 : memref<!tpu.dma_semaphore, #tpu.memory_space<semaphore_mem>>) src(%dma_wait3A_33 : memref<32000000xf32, #tpu.memory_space<hbm>>) dst(%arg13 : memref<2048xf32, #tpu.memory_space<vmem>>)
      %dma_wait3A_34 = arith.constant 0 : i32
      %dma_wait3A_35 = tpu.memref_slice %arg3[%dma_wait3A_34] : memref<32000000xf32, #tpu.memory_space<hbm>> -> memref<32000000xf32, #tpu.memory_space<hbm>>
      tpu.wait_indirect_dma semaphore(%arg17 : memref<!tpu.dma_semaphore, #tpu.memory_space<semaphore_mem>>) src(%dma_wait3A_35 : memref<32000000xf32, #tpu.memory_space<hbm>>) dst(%arg14 : memref<16384xf32, #tpu.memory_space<vmem>>)
      %scan3A_36 = arith.constant 0 : i32
      %scan3A_37 = arith.constant 0 : i32
      %scan3A_38 = arith.constant 64 : i32
      %scan3A_39 = arith.addi %scan3A_37, %scan3A_38 : i32
      %scan3A_40 = arith.constant 1 : i32
      %scan3A_41 = scf.for %scan3A_44 = %scan3A_37 to %scan3A_39 step %scan3A_40 iter_args(%scan3A_45 = %scan3A_36) -> (i32)  : i32 {
        %mul3A_46 = arith.constant 32 : i32
        %mul3A_47 = arith.muli %scan3A_44, %mul3A_46 : i32
        %get3A = arith.index_cast %mul3A_47 : i32 to index
        %get3A_48 = tpu.vector_load %arg12[%get3A] {strides = array<i32>} : memref<2048xf32, #tpu.memory_space<vmem>>, vector<16xf32>,
        %mul3A_49 = arith.constant 32 : i32
        %mul3A_50 = arith.muli %scan3A_44, %mul3A_49 : i32
        %add3A_51 = arith.constant 16 : i32
        %add3A_52 = arith.addi %mul3A_50, %add3A_51 : i32
        %get3A_53 = arith.index_cast %add3A_52 : i32 to index
        %get3A_54 = tpu.vector_load %arg12[%get3A_53] {strides = array<i32>} : memref<2048xf32, #tpu.memory_space<vmem>>, vector<16xf32>,
        %mul3A_55 = arith.constant 32 : i32
        %mul3A_56 = arith.muli %scan3A_44, %mul3A_55 : i32
        %get3A_57 = arith.index_cast %mul3A_56 : i32 to index
        %get3A_58 = tpu.vector_load %arg13[%get3A_57] {strides = array<i32>} : memref<2048xf32, #tpu.memory_space<vmem>>, vector<16xf32>,
        %mul3A_59 = arith.constant 32 : i32
        %mul3A_60 = arith.muli %scan3A_44, %mul3A_59 : i32
        %add3A_61 = arith.constant 16 : i32
        %add3A_62 = arith.addi %mul3A_60, %add3A_61 : i32
        %get3A_63 = arith.index_cast %add3A_62 : i32 to index
        %get3A_64 = tpu.vector_load %arg13[%get3A_63] {strides = array<i32>} : memref<2048xf32, #tpu.memory_space<vmem>>, vector<16xf32>,
        %mul3A_65 = arith.mulf %get3A_48, %get3A_58 : vector<16xf32>
        %mul3A_66 = arith.mulf %get3A_54, %get3A_64 : vector<16xf32>
        %add3A_67 = arith.addf %mul3A_65, %mul3A_66 : vector<16xf32>
        %broadcast_in_dim3A = arith.constant true
        %broadcast_in_dim3A_68 = vector.broadcast %broadcast_in_dim3A : i1 to vector<16xi1>
        %masked_cumsum3A = tpu.scan <sum>, %add3A_67 masked %broadcast_in_dim3A_68 : vector<16xf32>, vector<16xi1> -> vector<16xf32>
        %mul3A_69 = arith.constant 64 : i32
        %mul3A_70 = arith.muli %scan3A_13, %mul3A_69 : i32
        %add3A_71 = arith.addi %mul3A_70, %scan3A_44 : i32
        %broadcast_in_dim3A_72 = vector.broadcast %add3A_71 : i32 to vector<16xi32>
        tpu.vector_store_idx %arg15[%broadcast_in_dim3A_72], %masked_cumsum3A masked %eq3A_4 : memref<512xf32, #tpu.memory_space<vmem>>[vector<16xi32>], vector<16xf32>, vector<16xi1>
        %mul3A_73 = arith.constant 8 : i32
        %mul3A_74 = arith.muli %scan3A_44, %mul3A_73 : i32
        %add3A_75 = arith.constant 0 : i32
        %add3A_76 = arith.addi %mul3A_74, %add3A_75 : i32
        %mul3A_77 = arith.constant 32 : i32
        %mul3A_78 = arith.muli %add3A_76, %mul3A_77 : i32
        %get3A_79 = arith.index_cast %mul3A_78 : i32 to index
        %get3A_80 = tpu.vector_load %arg14[%get3A_79] {strides = array<i32>} : memref<16384xf32, #tpu.memory_space<vmem>>, vector<16xf32>,
        %add3A_81 = arith.constant 16 : i32
        %add3A_82 = arith.addi %mul3A_78, %add3A_81 : i32
        %get3A_83 = arith.index_cast %add3A_82 : i32 to index
        %get3A_84 = tpu.vector_load %arg14[%get3A_83] {strides = array<i32>} : memref<16384xf32, #tpu.memory_space<vmem>>, vector<16xf32>,
        %mul3A_85 = arith.mulf %get3A_48, %get3A_80 : vector<16xf32>
        %mul3A_86 = arith.mulf %get3A_54, %get3A_84 : vector<16xf32>
        %add3A_87 = arith.addf %mul3A_85, %mul3A_86 : vector<16xf32>
        %broadcast_in_dim3A_88 = arith.constant true
        %broadcast_in_dim3A_89 = vector.broadcast %broadcast_in_dim3A_88 : i1 to vector<16xi1>
        %masked_cumsum3A_90 = tpu.scan <sum>, %add3A_87 masked %broadcast_in_dim3A_89 : vector<16xf32>, vector<16xi1> -> vector<16xf32>
        %mul3A_91 = arith.constant 64 : i32
        %mul3A_92 = arith.muli %scan3A_13, %mul3A_91 : i32
        %add3A_93 = arith.addi %mul3A_92, %scan3A_44 : i32
        %mul3A_94 = arith.constant 8 : i32
        %mul3A_95 = arith.muli %add3A_93, %mul3A_94 : i32
        %add3A_96 = arith.constant 0 : i32
        %add3A_97 = arith.addi %mul3A_95, %add3A_96 : i32
        %broadcast_in_dim3A_98 = vector.broadcast %add3A_97 : i32 to vector<16xi32>
        tpu.vector_store_idx %arg16[%broadcast_in_dim3A_98], %masked_cumsum3A_90 masked %eq3A_4 : memref<4096xf32, #tpu.memory_space<vmem>>[vector<16xi32>], vector<16xf32>, vector<16xi1>
        %mul3A_99 = arith.constant 8 : i32
        %mul3A_100 = arith.muli %scan3A_44, %mul3A_99 : i32
        %add3A_101 = arith.constant 1 : i32
        %add3A_102 = arith.addi %mul3A_100, %add3A_101 : i32
        %mul3A_103 = arith.constant 32 : i32
        %mul3A_104 = arith.muli %add3A_102, %mul3A_103 : i32
        %get3A_105 = arith.index_cast %mul3A_104 : i32 to index
        %get3A_106 = tpu.vector_load %arg14[%get3A_105] {strides = array<i32>} : memref<16384xf32, #tpu.memory_space<vmem>>, vector<16xf32>,
        %add3A_107 = arith.constant 16 : i32
        %add3A_108 = arith.addi %mul3A_104, %add3A_107 : i32
        %get3A_109 = arith.index_cast %add3A_108 : i32 to index
        %get3A_110 = tpu.vector_load %arg14[%get3A_109] {strides = array<i32>} : memref<16384xf32, #tpu.memory_space<vmem>>, vector<16xf32>,
        %mul3A_111 = arith.mulf %get3A_48, %get3A_106 : vector<16xf32>
        %mul3A_112 = arith.mulf %get3A_54, %get3A_110 : vector<16xf32>
        %add3A_113 = arith.addf %mul3A_111, %mul3A_112 : vector<16xf32>
        %broadcast_in_dim3A_114 = arith.constant true
        %broadcast_in_dim3A_115 = vector.broadcast %broadcast_in_dim3A_114 : i1 to vector<16xi1>
        %masked_cumsum3A_116 = tpu.scan <sum>, %add3A_113 masked %broadcast_in_dim3A_115 : vector<16xf32>, vector<16xi1> -> vector<16xf32>
        %mul3A_117 = arith.constant 64 : i32
        %mul3A_118 = arith.muli %scan3A_13, %mul3A_117 : i32
        %add3A_119 = arith.addi %mul3A_118, %scan3A_44 : i32
        %mul3A_120 = arith.constant 8 : i32
        %mul3A_121 = arith.muli %add3A_119, %mul3A_120 : i32
        %add3A_122 = arith.constant 1 : i32
        %add3A_123 = arith.addi %mul3A_121, %add3A_122 : i32
        %broadcast_in_dim3A_124 = vector.broadcast %add3A_123 : i32 to vector<16xi32>
        tpu.vector_store_idx %arg16[%broadcast_in_dim3A_124], %masked_cumsum3A_116 masked %eq3A_4 : memref<4096xf32, #tpu.memory_space<vmem>>[vector<16xi32>], vector<16xf32>, vector<16xi1>
        %mul3A_125 = arith.constant 8 : i32
        %mul3A_126 = arith.muli %scan3A_44, %mul3A_125 : i32
        %add3A_127 = arith.constant 2 : i32
        %add3A_128 = arith.addi %mul3A_126, %add3A_127 : i32
        %mul3A_129 = arith.constant 32 : i32
        %mul3A_130 = arith.muli %add3A_128, %mul3A_129 : i32
        %get3A_131 = arith.index_cast %mul3A_130 : i32 to index
        %get3A_132 = tpu.vector_load %arg14[%get3A_131] {strides = array<i32>} : memref<16384xf32, #tpu.memory_space<vmem>>, vector<16xf32>,
        %add3A_133 = arith.constant 16 : i32
        %add3A_134 = arith.addi %mul3A_130, %add3A_133 : i32
        %get3A_135 = arith.index_cast %add3A_134 : i32 to index
        %get3A_136 = tpu.vector_load %arg14[%get3A_135] {strides = array<i32>} : memref<16384xf32, #tpu.memory_space<vmem>>, vector<16xf32>,
        %mul3A_137 = arith.mulf %get3A_48, %get3A_132 : vector<16xf32>
        %mul3A_138 = arith.mulf %get3A_54, %get3A_136 : vector<16xf32>
        %add3A_139 = arith.addf %mul3A_137, %mul3A_138 : vector<16xf32>
        %broadcast_in_dim3A_140 = arith.constant true
        %broadcast_in_dim3A_141 = vector.broadcast %broadcast_in_dim3A_140 : i1 to vector<16xi1>
        %masked_cumsum3A_142 = tpu.scan <sum>, %add3A_139 masked %broadcast_in_dim3A_141 : vector<16xf32>, vector<16xi1> -> vector<16xf32>
        %mul3A_143 = arith.constant 64 : i32
        %mul3A_144 = arith.muli %scan3A_13, %mul3A_143 : i32
        %add3A_145 = arith.addi %mul3A_144, %scan3A_44 : i32
        %mul3A_146 = arith.constant 8 : i32
        %mul3A_147 = arith.muli %add3A_145, %mul3A_146 : i32
        %add3A_148 = arith.constant 2 : i32
        %add3A_149 = arith.addi %mul3A_147, %add3A_148 : i32
        %broadcast_in_dim3A_150 = vector.broadcast %add3A_149 : i32 to vector<16xi32>
        tpu.vector_store_idx %arg16[%broadcast_in_dim3A_150], %masked_cumsum3A_142 masked %eq3A_4 : memref<4096xf32, #tpu.memory_space<vmem>>[vector<16xi32>], vector<16xf32>, vector<16xi1>
        %mul3A_151 = arith.constant 8 : i32
        %mul3A_152 = arith.muli %scan3A_44, %mul3A_151 : i32
        %add3A_153 = arith.constant 3 : i32
        %add3A_154 = arith.addi %mul3A_152, %add3A_153 : i32
        %mul3A_155 = arith.constant 32 : i32
        %mul3A_156 = arith.muli %add3A_154, %mul3A_155 : i32
        %get3A_157 = arith.index_cast %mul3A_156 : i32 to index
        %get3A_158 = tpu.vector_load %arg14[%get3A_157] {strides = array<i32>} : memref<16384xf32, #tpu.memory_space<vmem>>, vector<16xf32>,
        %add3A_159 = arith.constant 16 : i32
        %add3A_160 = arith.addi %mul3A_156, %add3A_159 : i32
        %get3A_161 = arith.index_cast %add3A_160 : i32 to index
        %get3A_162 = tpu.vector_load %arg14[%get3A_161] {strides = array<i32>} : memref<16384xf32, #tpu.memory_space<vmem>>, vector<16xf32>,
        %mul3A_163 = arith.mulf %get3A_48, %get3A_158 : vector<16xf32>
        %mul3A_164 = arith.mulf %get3A_54, %get3A_162 : vector<16xf32>
        %add3A_165 = arith.addf %mul3A_163, %mul3A_164 : vector<16xf32>
        %broadcast_in_dim3A_166 = arith.constant true
        %broadcast_in_dim3A_167 = vector.broadcast %broadcast_in_dim3A_166 : i1 to vector<16xi1>
        %masked_cumsum3A_168 = tpu.scan <sum>, %add3A_165 masked %broadcast_in_dim3A_167 : vector<16xf32>, vector<16xi1> -> vector<16xf32>
        %mul3A_169 = arith.constant 64 : i32
        %mul3A_170 = arith.muli %scan3A_13, %mul3A_169 : i32
        %add3A_171 = arith.addi %mul3A_170, %scan3A_44 : i32
        %mul3A_172 = arith.constant 8 : i32
        %mul3A_173 = arith.muli %add3A_171, %mul3A_172 : i32
        %add3A_174 = arith.constant 3 : i32
        %add3A_175 = arith.addi %mul3A_173, %add3A_174 : i32
        %broadcast_in_dim3A_176 = vector.broadcast %add3A_175 : i32 to vector<16xi32>
        tpu.vector_store_idx %arg16[%broadcast_in_dim3A_176], %masked_cumsum3A_168 masked %eq3A_4 : memref<4096xf32, #tpu.memory_space<vmem>>[vector<16xi32>], vector<16xf32>, vector<16xi1>
        %mul3A_177 = arith.constant 8 : i32
        %mul3A_178 = arith.muli %scan3A_44, %mul3A_177 : i32
        %add3A_179 = arith.constant 4 : i32
        %add3A_180 = arith.addi %mul3A_178, %add3A_179 : i32
        %mul3A_181 = arith.constant 32 : i32
        %mul3A_182 = arith.muli %add3A_180, %mul3A_181 : i32
        %get3A_183 = arith.index_cast %mul3A_182 : i32 to index
        %get3A_184 = tpu.vector_load %arg14[%get3A_183] {strides = array<i32>} : memref<16384xf32, #tpu.memory_space<vmem>>, vector<16xf32>,
        %add3A_185 = arith.constant 16 : i32
        %add3A_186 = arith.addi %mul3A_182, %add3A_185 : i32
        %get3A_187 = arith.index_cast %add3A_186 : i32 to index
        %get3A_188 = tpu.vector_load %arg14[%get3A_187] {strides = array<i32>} : memref<16384xf32, #tpu.memory_space<vmem>>, vector<16xf32>,
        %mul3A_189 = arith.mulf %get3A_48, %get3A_184 : vector<16xf32>
        %mul3A_190 = arith.mulf %get3A_54, %get3A_188 : vector<16xf32>
        %add3A_191 = arith.addf %mul3A_189, %mul3A_190 : vector<16xf32>
        %broadcast_in_dim3A_192 = arith.constant true
        %broadcast_in_dim3A_193 = vector.broadcast %broadcast_in_dim3A_192 : i1 to vector<16xi1>
        %masked_cumsum3A_194 = tpu.scan <sum>, %add3A_191 masked %broadcast_in_dim3A_193 : vector<16xf32>, vector<16xi1> -> vector<16xf32>
        %mul3A_195 = arith.constant 64 : i32
        %mul3A_196 = arith.muli %scan3A_13, %mul3A_195 : i32
        %add3A_197 = arith.addi %mul3A_196, %scan3A_44 : i32
        %mul3A_198 = arith.constant 8 : i32
        %mul3A_199 = arith.muli %add3A_197, %mul3A_198 : i32
        %add3A_200 = arith.constant 4 : i32
        %add3A_201 = arith.addi %mul3A_199, %add3A_200 : i32
        %broadcast_in_dim3A_202 = vector.broadcast %add3A_201 : i32 to vector<16xi32>
        tpu.vector_store_idx %arg16[%broadcast_in_dim3A_202], %masked_cumsum3A_194 masked %eq3A_4 : memref<4096xf32, #tpu.memory_space<vmem>>[vector<16xi32>], vector<16xf32>, vector<16xi1>
        %mul3A_203 = arith.constant 8 : i32
        %mul3A_204 = arith.muli %scan3A_44, %mul3A_203 : i32
        %add3A_205 = arith.constant 5 : i32
        %add3A_206 = arith.addi %mul3A_204, %add3A_205 : i32
        %mul3A_207 = arith.constant 32 : i32
        %mul3A_208 = arith.muli %add3A_206, %mul3A_207 : i32
        %get3A_209 = arith.index_cast %mul3A_208 : i32 to index
        %get3A_210 = tpu.vector_load %arg14[%get3A_209] {strides = array<i32>} : memref<16384xf32, #tpu.memory_space<vmem>>, vector<16xf32>,
        %add3A_211 = arith.constant 16 : i32
        %add3A_212 = arith.addi %mul3A_208, %add3A_211 : i32
        %get3A_213 = arith.index_cast %add3A_212 : i32 to index
        %get3A_214 = tpu.vector_load %arg14[%get3A_213] {strides = array<i32>} : memref<16384xf32, #tpu.memory_space<vmem>>, vector<16xf32>,
        %mul3A_215 = arith.mulf %get3A_48, %get3A_210 : vector<16xf32>
        %mul3A_216 = arith.mulf %get3A_54, %get3A_214 : vector<16xf32>
        %add3A_217 = arith.addf %mul3A_215, %mul3A_216 : vector<16xf32>
        %broadcast_in_dim3A_218 = arith.constant true
        %broadcast_in_dim3A_219 = vector.broadcast %broadcast_in_dim3A_218 : i1 to vector<16xi1>
        %masked_cumsum3A_220 = tpu.scan <sum>, %add3A_217 masked %broadcast_in_dim3A_219 : vector<16xf32>, vector<16xi1> -> vector<16xf32>
        %mul3A_221 = arith.constant 64 : i32
        %mul3A_222 = arith.muli %scan3A_13, %mul3A_221 : i32
        %add3A_223 = arith.addi %mul3A_222, %scan3A_44 : i32
        %mul3A_224 = arith.constant 8 : i32
        %mul3A_225 = arith.muli %add3A_223, %mul3A_224 : i32
        %add3A_226 = arith.constant 5 : i32
        %add3A_227 = arith.addi %mul3A_225, %add3A_226 : i32
        %broadcast_in_dim3A_228 = vector.broadcast %add3A_227 : i32 to vector<16xi32>
        tpu.vector_store_idx %arg16[%broadcast_in_dim3A_228], %masked_cumsum3A_220 masked %eq3A_4 : memref<4096xf32, #tpu.memory_space<vmem>>[vector<16xi32>], vector<16xf32>, vector<16xi1>
        %mul3A_229 = arith.constant 8 : i32
        %mul3A_230 = arith.muli %scan3A_44, %mul3A_229 : i32
        %add3A_231 = arith.constant 6 : i32
        %add3A_232 = arith.addi %mul3A_230, %add3A_231 : i32
        %mul3A_233 = arith.constant 32 : i32
        %mul3A_234 = arith.muli %add3A_232, %mul3A_233 : i32
        %get3A_235 = arith.index_cast %mul3A_234 : i32 to index
        %get3A_236 = tpu.vector_load %arg14[%get3A_235] {strides = array<i32>} : memref<16384xf32, #tpu.memory_space<vmem>>, vector<16xf32>,
        %add3A_237 = arith.constant 16 : i32
        %add3A_238 = arith.addi %mul3A_234, %add3A_237 : i32
        %get3A_239 = arith.index_cast %add3A_238 : i32 to index
        %get3A_240 = tpu.vector_load %arg14[%get3A_239] {strides = array<i32>} : memref<16384xf32, #tpu.memory_space<vmem>>, vector<16xf32>,
        %mul3A_241 = arith.mulf %get3A_48, %get3A_236 : vector<16xf32>
        %mul3A_242 = arith.mulf %get3A_54, %get3A_240 : vector<16xf32>
        %add3A_243 = arith.addf %mul3A_241, %mul3A_242 : vector<16xf32>
        %broadcast_in_dim3A_244 = arith.constant true
        %broadcast_in_dim3A_245 = vector.broadcast %broadcast_in_dim3A_244 : i1 to vector<16xi1>
        %masked_cumsum3A_246 = tpu.scan <sum>, %add3A_243 masked %broadcast_in_dim3A_245 : vector<16xf32>, vector<16xi1> -> vector<16xf32>
        %mul3A_247 = arith.constant 64 : i32
        %mul3A_248 = arith.muli %scan3A_13, %mul3A_247 : i32
        %add3A_249 = arith.addi %mul3A_248, %scan3A_44 : i32
        %mul3A_250 = arith.constant 8 : i32
        %mul3A_251 = arith.muli %add3A_249, %mul3A_250 : i32
        %add3A_252 = arith.constant 6 : i32
        %add3A_253 = arith.addi %mul3A_251, %add3A_252 : i32
        %broadcast_in_dim3A_254 = vector.broadcast %add3A_253 : i32 to vector<16xi32>
        tpu.vector_store_idx %arg16[%broadcast_in_dim3A_254], %masked_cumsum3A_246 masked %eq3A_4 : memref<4096xf32, #tpu.memory_space<vmem>>[vector<16xi32>], vector<16xf32>, vector<16xi1>
        %mul3A_255 = arith.constant 8 : i32
        %mul3A_256 = arith.muli %scan3A_44, %mul3A_255 : i32
        %add3A_257 = arith.constant 7 : i32
        %add3A_258 = arith.addi %mul3A_256, %add3A_257 : i32
        %mul3A_259 = arith.constant 32 : i32
        %mul3A_260 = arith.muli %add3A_258, %mul3A_259 : i32
        %get3A_261 = arith.index_cast %mul3A_260 : i32 to index
        %get3A_262 = tpu.vector_load %arg14[%get3A_261] {strides = array<i32>} : memref<16384xf32, #tpu.memory_space<vmem>>, vector<16xf32>,
        %add3A_263 = arith.constant 16 : i32
        %add3A_264 = arith.addi %mul3A_260, %add3A_263 : i32
        %get3A_265 = arith.index_cast %add3A_264 : i32 to index
        %get3A_266 = tpu.vector_load %arg14[%get3A_265] {strides = array<i32>} : memref<16384xf32, #tpu.memory_space<vmem>>, vector<16xf32>,
        %mul3A_267 = arith.mulf %get3A_48, %get3A_262 : vector<16xf32>
        %mul3A_268 = arith.mulf %get3A_54, %get3A_266 : vector<16xf32>
        %add3A_269 = arith.addf %mul3A_267, %mul3A_268 : vector<16xf32>
        %broadcast_in_dim3A_270 = arith.constant true
        %broadcast_in_dim3A_271 = vector.broadcast %broadcast_in_dim3A_270 : i1 to vector<16xi1>
        %masked_cumsum3A_272 = tpu.scan <sum>, %add3A_269 masked %broadcast_in_dim3A_271 : vector<16xf32>, vector<16xi1> -> vector<16xf32>
        %mul3A_273 = arith.constant 64 : i32
        %mul3A_274 = arith.muli %scan3A_13, %mul3A_273 : i32
        %add3A_275 = arith.addi %mul3A_274, %scan3A_44 : i32
        %mul3A_276 = arith.constant 8 : i32
        %mul3A_277 = arith.muli %add3A_275, %mul3A_276 : i32
        %add3A_278 = arith.constant 7 : i32
        %add3A_279 = arith.addi %mul3A_277, %add3A_278 : i32
        %broadcast_in_dim3A_280 = vector.broadcast %add3A_279 : i32 to vector<16xi32>
        tpu.vector_store_idx %arg16[%broadcast_in_dim3A_280], %masked_cumsum3A_272 masked %eq3A_4 : memref<4096xf32, #tpu.memory_space<vmem>>[vector<16xi32>], vector<16xf32>, vector<16xi1>
        %scan3A_281 = arith.constant 0 : i32
        scf.yield %scan3A_281 : i32
      }
      %scan3A_42 = arith.constant 64 : i32
      %scan3A_43 = arith.constant 0 : i32
      scf.yield %scan3A_43 : i32
    }
    %scan3A_10 = arith.constant 8 : i32
    "tpu.region"() ({
      %run_scoped3A = tpu.sem_alloc : memref<!tpu.dma_semaphore, #tpu.memory_space<semaphore_mem>>
      %dma_start3A = tpu.memref_slice %arg7[%mul3A_2] : memref<16384xf32, #tpu.memory_space<hbm>> -> memref<512xf32, #tpu.memory_space<hbm>>
      %dma_start3A_13 = tpu.memref_slice %arg7[%mul3A_2] : memref<16384xf32, #tpu.memory_space<hbm>> -> memref<512xf32, #tpu.memory_space<hbm>>
      tpu.enqueue_dma source(%arg15 : memref<512xf32, #tpu.memory_space<vmem>>) target(%dma_start3A_13 : memref<512xf32, #tpu.memory_space<hbm>>) target_semaphore(%run_scoped3A : memref<!tpu.dma_semaphore, #tpu.memory_space<semaphore_mem>>)
      %dma_wait3A = tpu.memref_slice %arg7[%mul3A_2] : memref<16384xf32, #tpu.memory_space<hbm>> -> memref<512xf32, #tpu.memory_space<hbm>>
      %dma_wait3A_14 = tpu.memref_slice %arg7[%mul3A_2] : memref<16384xf32, #tpu.memory_space<hbm>> -> memref<512xf32, #tpu.memory_space<hbm>>
      tpu.wait_dma2 semaphore(%run_scoped3A : memref<!tpu.dma_semaphore, #tpu.memory_space<semaphore_mem>>) src(%arg15 : memref<512xf32, #tpu.memory_space<vmem>>) dst(%dma_wait3A_14 : memref<512xf32, #tpu.memory_space<hbm>>)
      tpu.yield
    }) : () -> ()
    %mul3A_11 = arith.constant 8 : i32
    %mul3A_12 = arith.muli %mul3A_2, %mul3A_11 : i32
    "tpu.region"() ({
      %run_scoped3A = tpu.sem_alloc : memref<!tpu.dma_semaphore, #tpu.memory_space<semaphore_mem>>
      %dma_start3A = tpu.memref_slice %arg8[%mul3A_12] : memref<131072xf32, #tpu.memory_space<hbm>> -> memref<4096xf32, #tpu.memory_space<hbm>>
      %dma_start3A_13 = tpu.memref_slice %arg8[%mul3A_12] : memref<131072xf32, #tpu.memory_space<hbm>> -> memref<4096xf32, #tpu.memory_space<hbm>>
      tpu.enqueue_dma source(%arg16 : memref<4096xf32, #tpu.memory_space<vmem>>) target(%dma_start3A_13 : memref<4096xf32, #tpu.memory_space<hbm>>) target_semaphore(%run_scoped3A : memref<!tpu.dma_semaphore, #tpu.memory_space<semaphore_mem>>)
      %dma_wait3A = tpu.memref_slice %arg8[%mul3A_12] : memref<131072xf32, #tpu.memory_space<hbm>> -> memref<4096xf32, #tpu.memory_space<hbm>>
      %dma_wait3A_14 = tpu.memref_slice %arg8[%mul3A_12] : memref<131072xf32, #tpu.memory_space<hbm>> -> memref<4096xf32, #tpu.memory_space<hbm>>
      tpu.wait_dma2 semaphore(%run_scoped3A : memref<!tpu.dma_semaphore, #tpu.memory_space<semaphore_mem>>) src(%arg16 : memref<4096xf32, #tpu.memory_space<vmem>>) dst(%dma_wait3A_14 : memref<4096xf32, #tpu.memory_space<hbm>>)
      tpu.yield
    }) : () -> ()
    return
  }
}

</mosaic_0001>

<sc_bundles>
// kernel: kernel.3.cloned.1.call-start
scs
__scs_entry_jumppad:
0x0: {  	(pc) =	sbr.rel $0x88, $3  }
0x1: {  	(tag) =	ssettag $0x0;
	lr =	simm.s32 $0x1  }
0x2: {  	[smem:$0x3F9C] =	sst lr;
	_ =	strace $0xD0000000  }
0x3: {  	_ = 	snop  }
0x4: {  	_ = 	snop  }
0x5: {  	_ = 	snop  }
0x6: {  	_ = 	snop  }
0x7: {  	_ = 	snop  }
__scs_overlays_trampoline_lowered:
0x8: {  	[smem:$0x3FAB] =	sst s0  }
0x9: {  	[smem:$0x3FAC] =	sst s1  }
0xa: {  	[smem:$0x3FAD] =	sst s2  }
0xb: {  	[smem:$0x3FAE] =	sst s3  }
0xc: {  	[smem:$0x3FAF] =	sst s4  }
0xd: {  	[smem:$0x3FB0] =	sst s5  }
0xe: {  	[smem:$0x3FB1] =	sst s6  }
0xf: {  	[smem:$0x3FB2] =	sst s7  }
0x10: {  	[smem:$0x3FB3] =	sst s8  }
0x11: {  	[smem:$0x3FB4] =	sst s9;
	s0 =	simm.s32 @!p0 $0x0  }
0x12: {  	s1 =	sld [smem:$0x3F9A];
	s0 =	simm.s32 @p0 $0x1  }
0x13: {  	[smem:$0x3FB5] =	sst s0;
	s0 =	simm.s32 @!p1 $0x0  }
0x14: {  	s2 =	sld [smem:$0x3F99];
	s0 =	simm.s32 @p1 $0x1  }
0x15: {  	[smem:$0x3FB6] =	sst s0;
	s0 =	simm.s32 @!p2 $0x0  }
0x16: {  	s3 =	sld [smem:$0x3FDB];
	s0 =	simm.s32 @p2 $0x1  }
0x17: {  	s4 =	simm.s32 $0x1BF5;
	[smem:$0x3FB8] =	sst s0  }
0x18: {  	s0 =	sld [smem:$0x3F9B];
	_ =	swait.ge [sflag:s4], $0x0  }
0x19: {  	s7 =	sld [smem:$0x3F9C]  }
0x1a: {  	s8 =	sadd.s32 $0xFFFFE003, lr  }
0x1b: {  	s9 =	sadd.s32 $0xFFFFFEF7, lr;
	s5 =	simm.s32 $0xFFFFFFFF;
	p2 =	slt.u32 s8, $0xFFFFF086  }
0x1c: {  	p1 =	slt.u32 s9, $0xF7A;
	s5 =	simm.s32 @!p2 $0x0  }
0x1d: {  	s5 =	simm.s32 @p1 $0x1;
	p0 =	seq.s32 s7, s2  }
0x1e: {  	s7 =	smul.u32 @!p0 $0xF7A, s2;
	p2 =	seq.s32 @!p0 s5, $0x0  }
0x1f: {  	s9 =	smul.u32 $0xF7A, s1;
	s8 =	simm.s32 @!p0 $0x1BF5;
	p2 =	por !p2, p0  }
0x20: {  	[sflag:s8] =	ssyncset.s32 @!p0 $0xFFFFF086;
	s6 =	sadd.s32 @!p0 s3, s7;
	s7 =	simm.s32 @!p0 $0x108  }
0x21: {  	s3 =	sadd.s32 s3, s9;
	s6 =	sadd.s32 @!p0 $0x88, s6;
	s7 =	simm.s32 @p2 $0x1082  }
0x22: {  	[simem:s7], [sflag:s8] =	dma.local @!p0 [hbm:s6], $0xF7A  }
0x23: {  	s9 =	sor.u32 $0xD0000000, s2;
	s6 =	simm.s32 $0x108;
	_ =	swait.ge @!p0 [sflag:s8], $0x0  }
0x24: {  	s3 =	sadd.s32 $0x88, s3;
	s6 =	simm.s32 @!p1 $0x1082;
	[sflag:s4] =	ssyncset.s32 $0xFFFFF086  }
0x25: {  	[simem:s6], [sflag:s4] =	dma.local [hbm:s3], $0xF7A  }
0x26: {  	[smem:$0x3F9C] =	sst s1;
	(tag) =	ssettag s2;
	_ =	strace s9  }
0x27: {  	s1 =	sld [smem:$0x3FAC]  }
0x28: {  	s2 =	sld [smem:$0x3FAD]  }
0x29: {  	s4 =	sld [smem:$0x3FAF]  }
0x2a: {  	p0 =	seq.s32 s5, $0x0;
	s5 =	sld [smem:$0x3FB0]  }
0x2b: {  	s6 =	sld [smem:$0x3FB1]  }
0x2c: {  	s7 =	sld [smem:$0x3FB2]  }
0x2d: {  	s3 =	simm.s32 $0x108;
	s8 =	sld [smem:$0x3FB3]  }
0x2e: {  	s3 =	simm.s32 @!p0 $0x1082;
	s9 =	sld [smem:$0x3FB4]  }
0x2f: {  	lr =	sadd.s32 s0, s3;
	s0 =	sld [smem:$0x3FAB]  }
0x30: {  	s3 =	sld [smem:$0x3FAE]  }
0x31: {  	[smem:$0x3FB7] =	sst s10  }
0x32: {  	s10 =	sld [smem:$0x3FB5];
	_ =	sdelay $0x3  }
0x33: {  	p0 =	seq.s32 s10, $0x1;
	s10 =	sld [smem:$0x3FB7];
	_ =	sdelay $0x3  }
0x34: {  	[smem:$0x3FB7] =	sst s10  }
0x35: {  	s10 =	sld [smem:$0x3FB6];
	_ =	sdelay $0x3  }
0x36: {  	p1 =	seq.s32 s10, $0x1;
	s10 =	sld [smem:$0x3FB7];
	_ =	sdelay $0x3  }
0x37: {  	[smem:$0x3FB7] =	sst s10  }
0x38: {  	s10 =	sld [smem:$0x3FB8]  }
0x39: {  	_ = 	snop;
	(pc) =	sbr.ind lr, $3  }
0x3a: {  	_ = 	snop  }
0x3b: {  	_ = 	snop  }
0x3c: {  	p2 =	seq.s32 s10, $0x1;
	s10 =	sld [smem:$0x3FB7]  }
0x3d: {  	_ =	shalt  }
0x3e: {  	_ =	shalt  }
0x3f: {  	_ =	shalt  }
0x40: {  	_ =	shalt  }
0x41: {  	_ =	shalt  }
0x42: {  	_ =	shalt  }
0x43: {  	_ =	shalt  }
0x44: {  	_ =	shalt  }
0x45: {  	_ =	shalt  }
0x46: {  	_ =	shalt  }
0x47: {  	_ =	shalt  }
0x48: {  	_ =	shalt  }
0x49: {  	_ =	shalt  }
0x4a: {  	_ =	shalt  }
0x4b: {  	_ =	shalt  }
0x4c: {  	_ =	shalt  }
0x4d: {  	_ =	shalt  }
0x4e: {  	_ =	shalt  }
0x4f: {  	_ =	shalt  }
0x50: {  	_ =	shalt  }
0x51: {  	_ =	shalt  }
0x52: {  	_ =	shalt  }
0x53: {  	_ =	shalt  }
0x54: {  	_ =	shalt  }
0x55: {  	_ =	shalt  }
0x56: {  	_ =	shalt  }
0x57: {  	_ =	shalt  }
0x58: {  	_ =	shalt  }
0x59: {  	_ =	shalt  }
0x5a: {  	_ =	shalt  }
0x5b: {  	_ =	shalt  }
0x5c: {  	_ =	shalt  }
0x5d: {  	_ =	shalt  }
0x5e: {  	_ =	shalt  }
0x5f: {  	_ =	shalt  }
0x60: {  	_ =	shalt  }
0x61: {  	_ =	shalt  }
0x62: {  	_ =	shalt  }
0x63: {  	_ =	shalt  }
0x64: {  	_ =	shalt  }
0x65: {  	_ =	shalt  }
0x66: {  	_ =	shalt  }
0x67: {  	_ =	shalt  }
0x68: {  	_ =	shalt  }
0x69: {  	_ =	shalt  }
0x6a: {  	_ =	shalt  }
0x6b: {  	_ =	shalt  }
0x6c: {  	_ =	shalt  }
0x6d: {  	_ =	shalt  }
0x6e: {  	_ =	shalt  }
0x6f: {  	_ =	shalt  }
0x70: {  	_ =	shalt  }
0x71: {  	_ =	shalt  }
0x72: {  	_ =	shalt  }
0x73: {  	_ =	shalt  }
0x74: {  	_ =	shalt  }
0x75: {  	_ =	shalt  }
0x76: {  	_ =	shalt  }
0x77: {  	_ =	shalt  }
0x78: {  	_ =	shalt  }
0x79: {  	_ =	shalt  }
0x7a: {  	_ =	shalt  }
0x7b: {  	_ =	shalt  }
0x7c: {  	_ =	shalt  }
0x7d: {  	_ =	shalt  }
0x7e: {  	_ =	shalt  }
0x7f: {  	_ =	shalt  }
0x80: {  	_ =	shalt  }
0x81: {  	_ =	shalt  }
0x82: {  	_ =	shalt  }
0x83: {  	_ =	shalt  }
0x84: {  	_ =	shalt  }
0x85: {  	_ =	shalt  }
0x86: {  	_ =	shalt  }
0x87: {  	_ =	shalt  }
.Lfunc_end0:
.L_simem_size_0:
called_computation_lowered:
.L_overlay_start_0:
0x88: {  	s2 =	sld [smem:$0x3FD9]  }
0x89: {  	s3 =	sld [smem:$0x3FFE];
	_ =	sdelay $0x1  }
0x8a: {  	s1 =	srdreg.scid  }
0x8b: {  	s0 =	sand.u32 $0x1, s1  }
0x8c: {  	s14 =	sshll.u32 s0, $0xA;
	s2 =	sadd.s32 s3, s2  }
0x8d: {  	s2 =	sadd.s32 s2, s14  }
0x8e: {  	[smem:$0x3FC3] =	sst s2  }
0x8f: {  	_ = 	snop  }
0x90: {  	s2 =	sld [smem:$0x3FD0];
	_ =	sdelay $0x2  }
0x91: {  	s15 =	simm.s32 $0xA;
	s4 =	simm.s32 $0x10  }
0x92: {  	[smem:s4], [sflag:s15] =	dma.local [hbm:s2], $0x1  }
0x93: {  	_ =	swait.eq [sflag:s15], $0x1  }
0x94: {  	[sflag:s15] =	ssyncset.done $0x0  }
0x95: {  	s16 =	sld [smem:$0x10];
	[sflag:s15] =	ssyncadd.s32 $0xFFFFFFFF  }
0x96: {  	s17 =	sld [smem:$0x11];
	(tm) =	ssettm $0x1  }
0x97: {  	s18 =	sld [smem:$0x3FFB];
	_ =	sdelay $0x3  }
0x98: {  	_ =	strace s18  }
0x99: {  	s4 =	sld [smem:$0x3FFC];
	_ =	sdelay $0x3  }
0x9a: {  	_ =	strace s4  }
0x9b: {  	s4 =	sld [smem:$0x3FFD];
	_ =	sdelay $0x3  }
0x9c: {  	_ =	strace s4  }
0x9d: {  	_ =	strace $0x8FFFFFFF  }
0x9e: {  	s19 =	sld [smem:$0x3FDB];
	_ =	sdelay $0x1  }
0x9f: {  	s5 =	simm.s32 $_scs_section_size  }
0xa0: {  	s6 =	simm.s32 $_size__tile_overlayer_lowered;
	s7 =	simm.s32 $_tile_overlayer_lowered  }
0xa1: {  	s22 =	simm.s32 $0x1BFF;
	s21 =	sshll.u32 s7, $0x1;
	s4 =	sadd.s32 s5, s19  }
0xa2: {  	s8 =	simm.s32 $0x0;
	s20 =	sshll.u32 s6, $0x1;
	s6 =	sadd.s32 s21, s4  }
0xa3: {  	[timem:s8], [sflag:s22] =	dma.local [hbm:s6], s20  }
0xa4: {  	_ =	swait.ge [sflag:s22], s20  }
0xa5: {  	s5 =	ssub.s32 $0x0, s20;
	[sflag:s22] =	ssyncset.done $0x0  }
0xa6: {  	[sflag:s22] =	ssyncadd.s32 s5;
	_ =	sdelay $0x1  }
0xa7: {  	s23 =	simm.s32 $0x1B8B  }
0xa8: {  	_ =	swait.ge [sflag:s23], $0x1  }
0xa9: {  	[sflag:s23] =	ssyncset.done $0x0  }
0xaa: {  	s25 =	simm.s32 $0x1B8E;
	s24 =	sld [smem:$0x3FFE];
	[sflag:s23] =	ssyncadd.s32 $0xFFFFFFFF  }
0xab: {  	s26 =	simm.s32 $execute0_lowered;
	[smem:$0x3FD2] =	sst s25  }
0xac: {  	s6 =	sshll.u32 s26, $0x1;
	_ =	strace $0x80000046;
	[dreg:$0x1] =	wrdreg $0xFFFFFFFF  }
0xad: {  	s28 =	simm.s32 $_size_execute0_lowered;
	s4 =	sadd.s32 s4, s6;
	[dreg:$0x0] =	wrdreg $0x0  }
0xae: {  	s6 =	sshll.u32 s28, $0x1;
	[dreg:$0x2] =	wrdreg s4  }
0xaf: {  	[dreg:$0x3] =	wrdreg s6  }
0xb0: {  	[dreg:$0x4] =	wrdreg $0xC0  }
0xb1: {  	_ =	task [dreg:s8], $0x5FFFF  }
0xb2: {  	[dreg:$0x1] =	wrdreg $0xFFFFFFFF  }
0xb3: {  	[dreg:$0x0] =	wrdreg $0x60  }
0xb4: {  	[dreg:$0x2] =	wrdreg s24  }
0xb5: {  	[dreg:$0x3] =	wrdreg s16  }
0xb6: {  	[dreg:$0x4] =	wrdreg s17  }
0xb7: {  	[dreg:$0x5] =	wrdreg $0x9  }
0xb8: {  	_ =	task.clear_ibuf [dreg:s8], $0x6FFFF;
	_ =	strace $0x90000046  }
0xb9: {  	s29 =	simm.s32 $0x9;
	_ =	strace $0x80000048  }
0xba: {  	_ =	swait.ge [sflag:s29], $0x1  }
0xbb: {  	[sflag:s29] =	ssyncadd.s32 $0xFFFFFFFF  }
0xbc: {  	_ =	strace $0x90000048  }
0xbd: {  	_ =	sfence  }
0xbe: {  	s30 =	sld [smem:$0x0];
	_ =	sdelay $0x2  }
0xbf: {  	s31 =	sshll.u32 s1, $0xD;
	s1 =	sshrl.u32 s1, $0x2  }
0xc0: {  	s3 =	sand.u32 $0x4000, s31;
	s1 =	sadd.s32 s1, s30  }
0xc1: {  	s0 =	sor.u32 s3, s0;
	s1 =	sshll.u32 s1, $0x11  }
0xc2: {  	s0 =	sor.u32 s1, s0  }
0xc3: {  	s0 =	sadd.s32 $0x8F2B, s0  }
0xc4: {  	[sflag:s0] =	ssyncadd.remote.s32 $0x1  }
0xc5: {  	_ =	sfence.sel $0xFFFF  }
0xc6: {  	[dreg:$0x0] =	wrdreg $0xFFFFFFFF;
	(pc) =	sbr.abs _section_cstart, $3  }
0xc7: {  	[dreg:$0x1] =	wrdreg $0xFFFFFFFF  }
0xc8: {  	_ =	task.clear_ibuf [dreg:s8], $0x2FFFF;
	_ =	strace $0x9FFFFFFF  }
0xc9: {  	(tm) =	ssettm $0x7FFFFFFF  }
tec
execute0_lowered:
.L_overlay_start_1:
0x0: {  	(tag) =	ssettag $0x1  }
0x1: {  	s7 =	rddreg [dreg:$0x0]  }
0x2: {  	s9 =	rddreg [dreg:$0x1]  }
0x3: {  	s10 =	rddreg [dreg:$0x2]  }
0x4: {  	s0 =	rddreg [dreg:$0x3];
	s1 =	simm.s32 $0x0;
	s8 =	srdreg.scid  }
0x5: {  	s2 =	stileid.u32;
	s14 =	simm.s32 $0x1000;
	s15 =	simm.s32 $0x5000  }
0x6: {  	s16 =	simm.s32 $0x5800;
	s17 =	simm.s32 $0x4000;
	s18 =	simm.s32 $0x6000  }
0x7: {  	s19 =	simm.s32 $0x1;
	s20 =	simm.s32 $0xA000;
	s21 =	simm.s32 $0xA200  }
0x8: {  	[smem:$0x7FF] =	sst s1;
	s3 =	sadd.s32 $0xA00, s7;
	s4 =	sadd.s32 $0x3D1400, s7  }
0x9: {  	s22 =	simm.s32 $0x0;
	s5 =	sadd.s32 $0x7A1E00, s7;
	s6 =	sadd.s32 $0x7B1E00, s7  }
0xa: {  	s8 =	sand.u32 $0x1, s8;
	s11 =	sshll.u32 s2, $0x1;
	s7 =	sadd.s32 $0x9C1E00, s7  }
0xb: {  	_ =	strace $0x80000047;
	s12 =	ssub.s32 $0x2, s8;
	s11 =	sor.u32 s8, s11  }
0xc: {  	s13 =	sshrl.u32 s12, $0x1;
	s8 =	sshll.u32 s11, $0x9;
	s11 =	sshll.u32 s11, $0x6  }
0xd: {  	v0 =	vimm.s32 $0x0;
	vm1 =	vcmask $0x300;
	s12 =	ssub.s32 s12, s13;
	s9 =	sadd.s32 s9, s11;
	s10 =	sadd.s32 s10, s8  }
0xe: {  	vm0 =	vcmask $0x3F3C;
	v0 =	vsel vm1, $0x3, v0;
	s13 =	simm.s32 $0x800;
	s11 =	smax.u32 s12, $0x1;
	s12 =	simm.s32 $0x2  }
.LBB2_1:
0xf: {  	s23 =	simm.s32 $0x0;
	s24 =	simm.s32 $0x0;
	s25 =	simm.s32 $0x0  }
.LBB2_2:
0x10: {  	s26 =	sshll.u32 s25, $0x6  }
0x11: {  	s26 =	sor.u32 s8, s26  }
0x12: {  	s28 =	sshll.u32 s26, $0x2  }
0x13: {  	s30 =	simm.s32 $0x0;
	s29 =	sadd.s32 s5, s28  }
0x14: {  	[tilespmem:s30], [sflag:$0x2] =	stream.linear.gather [hbm4b:s29+s30], $0x800, $0x38;
	[tilespmem:$0xB200] =	vst v63  }
0x15: {  	_ =	swait.ge [sflag:s12], $0x800  }
0x16: {  	[sflag:s12] =	ssyncset.done $0x0  }
0x17: {  	s28 =	sadd.s32 s6, s28;
	[sflag:s12] =	ssyncadd.s32 $0xFFFFF800  }
0x18: {  	[tilespmem:s13], [sflag:$0x2] =	stream.linear.gather [hbm4b:s28+s30], $0x800, $0x38;
	[tilespmem:$0xB200] =	vst v63  }
0x19: {  	_ =	swait.ge [sflag:s12], $0x800  }
0x1a: {  	s26 =	sshll.u32 s26, $0x5;
	[sflag:s12] =	ssyncset.done $0x0  }
0x1b: {  	s26 =	sadd.s32 s7, s26;
	[sflag:s12] =	ssyncadd.s32 $0xFFFFF800  }
0x1c: {  	[tilespmem:s14], [sflag:$0x2] =	stream.linear.gather [hbm4b:s26+s30], $0x4000, $0x38;
	[tilespmem:$0xB200] =	vst v63  }
0x1d: {  	_ =	swait.ge [sflag:s12], $0x4000  }
0x1e: {  	[sflag:s12] =	ssyncset.done $0x0  }
0x1f: {  	[sflag:s12] =	ssyncadd.s32 $0xFFFFC000  }
0x20: {  	[tilespmem:s15], [sflag:$0x1] =	stream.indirect.gather [hbm4b:s3+s13], $0x1, s30, s13, $0xb8;
	[tilespmem:$0xB200] =	vst v63  }
0x21: {  	_ = 	snop  }
0x22: {  	[tilespmem:s16], [sflag:$0x1] =	stream.indirect.gather [hbm4b:s4+s13], $0x1, s13, s13, $0xb8;
	[tilespmem:$0xB200] =	vst v63  }
0x23: {  	_ = 	snop  }
0x24: {  	[tilespmem:s18], [sflag:$0x1] =	stream.indirect.gather [hbm4b:s4+s17], $0x1, s14, s17, $0xb8;
	[tilespmem:$0xB200] =	vst v63  }
0x25: {  	_ =	swait.ge [sflag:s19], $0x800  }
0x26: {  	[sflag:s19] =	ssyncset.done $0x0  }
0x27: {  	[sflag:s19] =	ssyncadd.s32 $0xFFFFF800  }
0x28: {  	_ =	swait.ge [sflag:s19], $0x800  }
0x29: {  	[sflag:s19] =	ssyncset.done $0x0  }
0x2a: {  	[sflag:s19] =	ssyncadd.s32 $0xFFFFF800  }
0x2b: {  	_ =	swait.ge [sflag:s19], $0x4000  }
0x2c: {  	[sflag:s19] =	ssyncset.done $0x0  }
0x2d: {  	s31 =	simm.s32 $0x0;
	[sflag:s19] =	ssyncadd.s32 $0xFFFFC000  }
0x2e: {  	v1 =	vld [tilespmem:s31+$0x5810]  }
0x2f: {  	v2 =	vld [tilespmem:s31+$0x5800]  }
0x30: {  	v3 =	vld [tilespmem:s31+$0x5000]  }
0x31: {  	v4 =	vld [tilespmem:s31+$0x5010];
	_ =	sdelay $0x4  }
0x32: {  	v2 =	vmul.f32 v2, v3;
	v1 =	vmul.f32 v1, v4;
	_ =	sdelay $0x1  }
0x33: {  	v1 =	vadd.f32 v1, v2;
	_ =	sdelay $0x1  }
0x34: {  	(xrf2) =	vadd.scan.msk.f32 $0xffff, v1;
	_ =	sdelay $0x5  }
0x35: {  	v1 =	vmov s23;
	_ =	sdelay $0x3  }
0x36: {  	v2, _, _ =	vpop (xrf2)  }
0x37: {  	s26 =	simm.s32 $0x6080;
	[tilespmem:v1+s20+$0x0] =	vst.idx.msk vm0, v2  }
0x38: {  	v1 =	vld [tilespmem:s26+$0xFFFFFF80]  }
0x39: {  	v2 =	vld [tilespmem:s26+$0xFFFFFF90];
	_ =	sdelay $0x4  }
0x3a: {  	v1 =	vmul.f32 v1, v3;
	v2 =	vmul.f32 v2, v4;
	_ =	sdelay $0x1  }
0x3b: {  	v1 =	vadd.f32 v2, v1;
	_ =	sdelay $0x1  }
0x3c: {  	(xrf2) =	vadd.scan.msk.f32 $0xffff, v1;
	_ =	sdelay $0x1  }
0x3d: {  	v1 =	vmov s24  }
0x3e: {  	v1 =	vshrl.u32 v1, $0x3  }
0x3f: {  	v1 =	vshll.u32 v1, v0  }
0x40: {  	v2 =	vbroadcast v1, $0x0;
	_ =	sdelay $0x4  }
0x41: {  	v5, _, _ =	vpop (xrf2)  }
0x42: {  	[tilespmem:v2+s21+$0x0] =	vst.idx.msk vm0, v5  }
0x43: {  	v2 =	vld [tilespmem:s26+$0xFFFFFFA0]  }
0x44: {  	v5 =	vld [tilespmem:s26+$0xFFFFFFB0];
	_ =	sdelay $0x4  }
0x45: {  	v2 =	vmul.f32 v2, v3;
	v5 =	vmul.f32 v5, v4;
	_ =	sdelay $0x1  }
0x46: {  	v2 =	vadd.f32 v5, v2;
	_ =	sdelay $0x1  }
0x47: {  	(xrf2) =	vadd.scan.msk.f32 $0xffff, v2;
	_ =	sdelay $0x3  }
0x48: {  	v2 =	vadd.s32 $0x1, v1  }
0x49: {  	v2 =	vbroadcast v2, $0x0;
	_ =	sdelay $0x4  }
0x4a: {  	v5, _, _ =	vpop (xrf2)  }
0x4b: {  	[tilespmem:v2+s21+$0x0] =	vst.idx.msk vm0, v5  }
0x4c: {  	v2 =	vld [tilespmem:s26+$0xFFFFFFC0]  }
0x4d: {  	v5 =	vld [tilespmem:s26+$0xFFFFFFD0];
	_ =	sdelay $0x4  }
0x4e: {  	v2 =	vmul.f32 v2, v3;
	v5 =	vmul.f32 v5, v4;
	_ =	sdelay $0x1  }
0x4f: {  	v2 =	vadd.f32 v5, v2;
	_ =	sdelay $0x1  }
0x50: {  	(xrf2) =	vadd.scan.msk.f32 $0xffff, v2;
	_ =	sdelay $0x3  }
0x51: {  	v2 =	vadd.s32 $0x2, v1  }
0x52: {  	v2 =	vbroadcast v2, $0x0;
	_ =	sdelay $0x4  }
0x53: {  	v5, _, _ =	vpop (xrf2)  }
0x54: {  	[tilespmem:v2+s21+$0x0] =	vst.idx.msk vm0, v5  }
0x55: {  	v2 =	vld [tilespmem:s26+$0xFFFFFFE0]  }
0x56: {  	v5 =	vld [tilespmem:s26+$0xFFFFFFF0];
	_ =	sdelay $0x4  }
0x57: {  	v2 =	vmul.f32 v2, v3;
	v5 =	vmul.f32 v5, v4;
	_ =	sdelay $0x1  }
0x58: {  	v2 =	vadd.f32 v5, v2;
	_ =	sdelay $0x1  }
0x59: {  	(xrf2) =	vadd.scan.msk.f32 $0xffff, v2;
	_ =	sdelay $0x3  }
0x5a: {  	v2 =	vadd.s32 $0x3, v1  }
0x5b: {  	v2 =	vbroadcast v2, $0x0;
	_ =	sdelay $0x4  }
0x5c: {  	v5, _, _ =	vpop (xrf2)  }
0x5d: {  	[tilespmem:v2+s21+$0x0] =	vst.idx.msk vm0, v5  }
0x5e: {  	v2 =	vld [tilespmem:s26+$0x10]  }
0x5f: {  	v5 =	vld [tilespmem:s26+$0x0];
	_ =	sdelay $0x4  }
0x60: {  	v2 =	vmul.f32 v2, v4;
	v5 =	vmul.f32 v5, v3;
	_ =	sdelay $0x1  }
0x61: {  	v2 =	vadd.f32 v2, v5;
	_ =	sdelay $0x1  }
0x62: {  	(xrf2) =	vadd.scan.msk.f32 $0xffff, v2;
	_ =	sdelay $0x3  }
0x63: {  	v2 =	vadd.s32 $0x4, v1  }
0x64: {  	v2 =	vbroadcast v2, $0x0;
	_ =	sdelay $0x4  }
0x65: {  	v5, _, _ =	vpop (xrf2)  }
0x66: {  	[tilespmem:v2+s21+$0x0] =	vst.idx.msk vm0, v5  }
0x67: {  	v2 =	vld [tilespmem:s26+$0x20]  }
0x68: {  	v5 =	vld [tilespmem:s26+$0x30];
	_ =	sdelay $0x4  }
0x69: {  	v2 =	vmul.f32 v2, v3;
	v5 =	vmul.f32 v5, v4;
	_ =	sdelay $0x1  }
0x6a: {  	v2 =	vadd.f32 v5, v2;
	_ =	sdelay $0x1  }
0x6b: {  	(xrf2) =	vadd.scan.msk.f32 $0xffff, v2;
	_ =	sdelay $0x3  }
0x6c: {  	v2 =	vadd.s32 $0x5, v1  }
0x6d: {  	v2 =	vbroadcast v2, $0x0;
	_ =	sdelay $0x4  }
0x6e: {  	v5, _, _ =	vpop (xrf2)  }
0x6f: {  	[tilespmem:v2+s21+$0x0] =	vst.idx.msk vm0, v5  }
0x70: {  	v2 =	vld [tilespmem:s26+$0x40]  }
0x71: {  	v5 =	vld [tilespmem:s26+$0x50];
	_ =	sdelay $0x4  }
0x72: {  	v2 =	vmul.f32 v2, v3;
	v5 =	vmul.f32 v5, v4;
	_ =	sdelay $0x1  }
0x73: {  	v2 =	vadd.f32 v5, v2;
	_ =	sdelay $0x1  }
0x74: {  	(xrf2) =	vadd.scan.msk.f32 $0xffff, v2;
	_ =	sdelay $0x3  }
0x75: {  	v2 =	vadd.s32 $0x6, v1  }
0x76: {  	v2 =	vbroadcast v2, $0x0;
	_ =	sdelay $0x4  }
0x77: {  	v5, _, _ =	vpop (xrf2)  }
0x78: {  	[tilespmem:v2+s21+$0x0] =	vst.idx.msk vm0, v5  }
0x79: {  	v2 =	vld [tilespmem:s26+$0x60]  }
0x7a: {  	v5 =	vld [tilespmem:s26+$0x70];
	_ =	sdelay $0x4  }
0x7b: {  	v2 =	vmul.f32 v2, v3;
	v4 =	vmul.f32 v5, v4;
	_ =	sdelay $0x1  }
0x7c: {  	s29 =	smov.u32 s24;
	s28 =	simm.s32 $0x80;
	s30 =	smov.u32 s23;
	v3 =	vadd.s32 $0x7, v1;
	v1 =	vadd.f32 v4, v2  }
.LBB2_3:
0x7d: {  	_ = 	snop  }
0x7e: {  	s26 =	sadd.s32 $0x100, s26;
	s29 =	sadd.s32 $0x8, s29;
	s30 =	sadd.s32 $0x1, s30;
	(xrf2) =	vadd.scan.msk.f32 $0xffff, v1  }
0x7f: {  	p0 =	sne.s32 s28, $0x1F80;
	s31 =	smov.u32 s28;
	s28 =	sadd.s32 $0x80, s28  }
0x80: {  	_ = 	snop  }
0x81: {  	v1 =	vbroadcast v3, $0x0;
	_ =	sdelay $0x6  }
0x82: {  	v2, _, _ =	vpop (xrf2)  }
0x83: {  	s31 =	sshra.s32 s31, $0x2;
	[tilespmem:v1+s21+$0x0] =	vst.idx.msk vm0, v2  }
0x84: {  	v3 =	vld [tilespmem:s31+$0x5810]  }
0x85: {  	v4 =	vld [tilespmem:s31+$0x5800]  }
0x86: {  	v1 =	vld [tilespmem:s31+$0x5000]  }
0x87: {  	v2 =	vld [tilespmem:s31+$0x5010];
	_ =	sdelay $0x3  }
0x88: {  	v4 =	vmul.f32 v4, v1  }
0x89: {  	v3 =	vmul.f32 v3, v2;
	_ =	sdelay $0x1  }
0x8a: {  	v3 =	vadd.f32 v3, v4;
	_ =	sdelay $0x1  }
0x8b: {  	(xrf2) =	vadd.scan.msk.f32 $0xffff, v3;
	_ =	sdelay $0x5  }
0x8c: {  	v3 =	vmov s30;
	_ =	sdelay $0x3  }
0x8d: {  	v4, _, _ =	vpop (xrf2)  }
0x8e: {  	[tilespmem:v3+s20+$0x0] =	vst.idx.msk vm0, v4  }
0x8f: {  	v3 =	vld [tilespmem:s26+$0xFFFFFF80]  }
0x90: {  	v4 =	vld [tilespmem:s26+$0xFFFFFF90];
	_ =	sdelay $0x3  }
0x91: {  	v3 =	vmul.f32 v3, v1  }
0x92: {  	v4 =	vmul.f32 v4, v2;
	_ =	sdelay $0x1  }
0x93: {  	v3 =	vadd.f32 v4, v3;
	_ =	sdelay $0x1  }
0x94: {  	(xrf2) =	vadd.scan.msk.f32 $0xffff, v3;
	_ =	sdelay $0x1  }
0x95: {  	v3 =	vmov s29  }
0x96: {  	v3 =	vshrl.u32 v3, $0x3  }
0x97: {  	v3 =	vshll.u32 v3, v0  }
0x98: {  	v6 =	vbroadcast v3, $0x0;
	v7 =	vadd.s32 $0x1, v3;
	v8 =	vadd.s32 $0x2, v3  }
0x99: {  	v9 =	vadd.s32 $0x3, v3;
	v10 =	vadd.s32 $0x4, v3;
	v5 =	vadd.s32 $0x5, v3  }
0x9a: {  	v4 =	vadd.s32 $0x6, v3;
	v3 =	vadd.s32 $0x7, v3;
	_ =	sdelay $0x2  }
0x9b: {  	v11, _, _ =	vpop (xrf2)  }
0x9c: {  	[tilespmem:v6+s21+$0x0] =	vst.idx.msk vm0, v11  }
0x9d: {  	v6 =	vld [tilespmem:s26+$0xFFFFFFA0]  }
0x9e: {  	v11 =	vld [tilespmem:s26+$0xFFFFFFB0];
	_ =	sdelay $0x3  }
0x9f: {  	v6 =	vmul.f32 v6, v1  }
0xa0: {  	v11 =	vmul.f32 v11, v2;
	_ =	sdelay $0x1  }
0xa1: {  	v6 =	vadd.f32 v11, v6;
	_ =	sdelay $0x1  }
0xa2: {  	(xrf2) =	vadd.scan.msk.f32 $0xffff, v6;
	_ =	sdelay $0x4  }
0xa3: {  	v6 =	vbroadcast v7, $0x0;
	_ =	sdelay $0x4  }
0xa4: {  	v7, _, _ =	vpop (xrf2)  }
0xa5: {  	[tilespmem:v6+s21+$0x0] =	vst.idx.msk vm0, v7  }
0xa6: {  	v6 =	vld [tilespmem:s26+$0xFFFFFFC0]  }
0xa7: {  	v7 =	vld [tilespmem:s26+$0xFFFFFFD0];
	_ =	sdelay $0x3  }
0xa8: {  	v6 =	vmul.f32 v6, v1  }
0xa9: {  	v7 =	vmul.f32 v7, v2;
	_ =	sdelay $0x1  }
0xaa: {  	v6 =	vadd.f32 v7, v6;
	_ =	sdelay $0x1  }
0xab: {  	(xrf2) =	vadd.scan.msk.f32 $0xffff, v6;
	_ =	sdelay $0x4  }
0xac: {  	v6 =	vbroadcast v8, $0x0;
	_ =	sdelay $0x4  }
0xad: {  	v7, _, _ =	vpop (xrf2)  }
0xae: {  	[tilespmem:v6+s21+$0x0] =	vst.idx.msk vm0, v7  }
0xaf: {  	v6 =	vld [tilespmem:s26+$0xFFFFFFE0]  }
0xb0: {  	v7 =	vld [tilespmem:s26+$0xFFFFFFF0];
	_ =	sdelay $0x3  }
0xb1: {  	v6 =	vmul.f32 v6, v1  }
0xb2: {  	v7 =	vmul.f32 v7, v2;
	_ =	sdelay $0x1  }
0xb3: {  	v6 =	vadd.f32 v7, v6;
	_ =	sdelay $0x1  }
0xb4: {  	(xrf2) =	vadd.scan.msk.f32 $0xffff, v6;
	_ =	sdelay $0x4  }
0xb5: {  	v6 =	vbroadcast v9, $0x0;
	_ =	sdelay $0x4  }
0xb6: {  	v7, _, _ =	vpop (xrf2)  }
0xb7: {  	[tilespmem:v6+s21+$0x0] =	vst.idx.msk vm0, v7  }
0xb8: {  	v6 =	vld [tilespmem:s26+$0x10]  }
0xb9: {  	v7 =	vld [tilespmem:s26+$0x0];
	_ =	sdelay $0x3  }
0xba: {  	v6 =	vmul.f32 v6, v2  }
0xbb: {  	v7 =	vmul.f32 v7, v1;
	_ =	sdelay $0x1  }
0xbc: {  	v6 =	vadd.f32 v6, v7;
	_ =	sdelay $0x1  }
0xbd: {  	(xrf2) =	vadd.scan.msk.f32 $0xffff, v6;
	_ =	sdelay $0x4  }
0xbe: {  	v6 =	vbroadcast v10, $0x0;
	_ =	sdelay $0x4  }
0xbf: {  	v7, _, _ =	vpop (xrf2)  }
0xc0: {  	[tilespmem:v6+s21+$0x0] =	vst.idx.msk vm0, v7  }
0xc1: {  	v6 =	vld [tilespmem:s26+$0x20]  }
0xc2: {  	v7 =	vld [tilespmem:s26+$0x30];
	_ =	sdelay $0x3  }
0xc3: {  	v6 =	vmul.f32 v6, v1  }
0xc4: {  	v7 =	vmul.f32 v7, v2;
	_ =	sdelay $0x1  }
0xc5: {  	v6 =	vadd.f32 v7, v6;
	_ =	sdelay $0x1  }
0xc6: {  	(xrf2) =	vadd.scan.msk.f32 $0xffff, v6;
	_ =	sdelay $0x4  }
0xc7: {  	v5 =	vbroadcast v5, $0x0;
	_ =	sdelay $0x4  }
0xc8: {  	v6, _, _ =	vpop (xrf2)  }
0xc9: {  	[tilespmem:v5+s21+$0x0] =	vst.idx.msk vm0, v6  }
0xca: {  	v5 =	vld [tilespmem:s26+$0x40]  }
0xcb: {  	v6 =	vld [tilespmem:s26+$0x50];
	_ =	sdelay $0x3  }
0xcc: {  	v5 =	vmul.f32 v5, v1  }
0xcd: {  	v6 =	vmul.f32 v6, v2;
	_ =	sdelay $0x1  }
0xce: {  	v5 =	vadd.f32 v6, v5;
	_ =	sdelay $0x1  }
0xcf: {  	(xrf2) =	vadd.scan.msk.f32 $0xffff, v5;
	_ =	sdelay $0x3  }
0xd0: {  	v4 =	vbroadcast v4, $0x0;
	_ =	sdelay $0x5  }
0xd1: {  	v5, _, _ =	vpop (xrf2)  }
0xd2: {  	[tilespmem:v4+s21+$0x0] =	vst.idx.msk vm0, v5  }
0xd3: {  	v4 =	vld [tilespmem:s26+$0x60]  }
0xd4: {  	v5 =	vld [tilespmem:s26+$0x70];
	_ =	sdelay $0x2  }
.Ltmp0:
0xd5: {  	(pc) =	sbr.rel @p0 .LBB2_3-.Ltmp0, $3  }
0xd6: {  	v1 =	vmul.f32 v4, v1  }
0xd7: {  	v2 =	vmul.f32 v5, v2;
	_ =	sdelay $0x1  }
0xd8: {  	v1 =	vadd.f32 v2, v1  }
0xd9: {  	_ = 	snop  }
0xda: {  	(xrf2) =	vadd.scan.msk.f32 $0xffff, v1;
	_ =	sdelay $0x4  }
0xdb: {  	s25 =	sadd.s32 $0x1, s25;
	v1 =	vbroadcast v3, $0x0  }
0xdc: {  	p0 =	sne.s32 s25, $0x8  }
.Ltmp1:
0xdd: {  	_ = 	snop;
	(pc) =	sbr.rel @p0 .LBB2_2-.Ltmp1, $3  }
0xde: {  	_ =	sdelay $0x1  }
0xdf: {  	v2, _, _ =	vpop (xrf2)  }
0xe0: {  	s24 =	sadd.s32 $0x200, s24;
	s23 =	sadd.s32 $0x40, s23;
	[tilespmem:v1+s21+$0x0] =	vst.idx.msk vm0, v2  }
0xe1: {  	[hbm4b:s9+s1] =	stream.linear.scatter [tilespmem:s20], [sflag:$0x2], $0x200, $0x38;
	[tilespmem:$0xB200] =	vst v63  }
0xe2: {  	s22 =	sadd.s32 $0x1, s22;
	_ =	swait.ge [sflag:s12], $0x200  }
0xe3: {  	p0 =	sne.s32 s22, s11;
	[sflag:s12] =	ssyncset.done $0x0  }
.Ltmp2:
0xe4: {  	[sflag:s12] =	ssyncadd.s32 $0xFFFFFE00;
	(pc) =	sbr.rel @p0 .LBB2_1-.Ltmp2, $4  }
0xe5: {  	[hbm4b:s10+s1] =	stream.linear.scatter [tilespmem:s21], [sflag:$0x2], $0x1000, $0x38;
	[tilespmem:$0xB200] =	vst v63  }
0xe6: {  	_ =	swait.ge [sflag:s12], $0x1000  }
0xe7: {  	[sflag:s12] =	ssyncset.done $0x0  }
0xe8: {  	[sflag:s12] =	ssyncadd.s32 $0xFFFFF000  }
0xe9: {  	_ =	sfence.sel $0x180000  }
0xea: {  	[bflag:$0x0] =	sbarrier.arrive $0xFFFF  }
0xeb: {  	p0 =	sne.s32 s2, $0x0;
	_ =	strace $0x90000047  }
0xec: {  	s0 =	sadd.s32 @!p0 $0x100000, s0;
	[bflag:$0x2] =	sbarrier.arrive $0xFFFF  }
0xed: {  	[sflag:s0] =	ssyncadd.tile.s32 @!p0 $0x1;
	_ =	shalt  }
.Lfunc_end2:
_tile_overlayer_lowered:
.L_overlay_start_2:
0xee: {  	(tag) =	ssettag $0x2  }
0xef: {  	s0 =	rddreg [dreg:$0x0];
	s2 =	stileid.u32  }
0xf0: {  	s1 =	rddreg [dreg:$0x1];
	p0 =	sne.s32 s2, $0x0  }
0xf1: {  	s3 =	rddreg [dreg:$0x2];
	[bflag:$0x3] =	sbarrier.arrive $0xFFFF;
	s2 =	simm.s32 @!p0 $0x1C02  }
0xf2: {  	[timem:s3], [sflag:s2] =	dma.local @!p0 [hbm:s0], s1  }
0xf3: {  	s0 =	simm.s32 @!p0 $0x2  }
0xf4: {  	_ =	swait.ge @!p0 [sflag:s0], s1  }
0xf5: {  	s1 =	ssub.s32 @!p0 $0x0, s1;
	[sflag:s0] =	ssyncset.done @!p0 $0x0  }
0xf6: {  	[sflag:s0] =	ssyncadd.s32 @!p0 s1  }
0xf7: {  	[bflag:$0x3] =	sbarrier.arrive $0xFFFF  }
0xf8: {  	_ =	shalt  }

</sc_bundles>
